<compile_context>
chip_gen: v7x
topology: tpu7x:2x2x1
jax: 0.10.2.dev20260603
libtpu: 0.0.44.dev20260713+nightly
codegen_flags: <defaults>
</compile_context>

<pallas_src>
import functools

import jax
import jax.numpy as jnp
from jax import lax
from jax.experimental import pallas as pl
from jax.experimental.pallas import tpu as pltpu
from jax.experimental.pallas import tpu_sc as plsc

_N = 10000
_E = 160000
_D = 256
_ZROWS = 64

_CHUNK = 128
_NCHUNK = 80
_EPT = _NCHUNK * _CHUNK
_EPAD = 16 * _EPT
_SENT = _N
_HIST = 10240
_HPT = _HIST // 16


def _degree_body(edges, deg, idx2, ones2, zeros_v, hist, sem):
    c = lax.axis_index("c")
    s = lax.axis_index("s")

    load = pltpu.async_copy(edges.at[c, pl.ds(s * _NCHUNK, _NCHUNK)], idx2, sem)

    for k in range(_CHUNK // 16):
        ones2[pl.ds(k * 16, 16)] = jnp.ones((16,), jnp.int32)
    def zfill(i, carry):
        zeros_v[pl.ds(i * 16, 16)] = jnp.zeros((16,), jnp.int32)
        return carry
    lax.fori_loop(0, _HPT // 16, zfill, 0)

    pltpu.sync_copy(zeros_v, hist.at[pl.ds(s * _HPT, _HPT)])
    load.wait()
    plsc.subcore_barrier()

    def fire(j, carry):
        pltpu.async_copy(ones2, hist.at[idx2.at[j]], sem, add=True)
        return carry
    lax.fori_loop(0, _NCHUNK, fire, 0)
    pltpu.make_async_copy(edges.at[c, pl.ds(0, _NCHUNK)], idx2, sem).wait()

    plsc.subcore_barrier()

    @pl.when(s == 0)
    def _write():
        pltpu.sync_copy(hist, deg.at[pl.ds(c * _HIST, _HIST)])


@functools.cache
def _degree_kernel():
    return functools.partial(
        pl.kernel,
        out_type=jax.ShapeDtypeStruct((2 * _HIST,), jnp.int32),
        mesh=plsc.VectorSubcoreMesh(core_axis_name="c", subcore_axis_name="s"),
        scratch_types=[
            pltpu.VMEM((_NCHUNK, _CHUNK), jnp.int32),
            pltpu.VMEM((_CHUNK,), jnp.int32),
            pltpu.VMEM((_HPT,), jnp.int32),
            pltpu.VMEM_SHARED((_HIST,), jnp.int32),
            pltpu.SemaphoreType.DMA,
        ],
    )(_degree_body)


_RB = 2048
_RCH = _RB // _CHUNK


def _encode_body(dio_ref, x_ref, zin_ref, zout_ref, o_ref):
    d2 = dio_ref[...].reshape(2 * _RCH, _CHUNK).astype(jnp.float32)
    eye = jnp.eye(_CHUNK, dtype=jnp.float32)
    dt = lax.dot_general(eye, d2, (((1,), (1,)), ((), ())),
                         preferred_element_type=jnp.float32)
    ocol = jnp.concatenate([dt[:, q:q + 1] for q in range(_RCH)], axis=0)
    icol = jnp.concatenate([dt[:, _RCH + q:_RCH + q + 1] for q in range(_RCH)],
                           axis=0)
    iot = lax.broadcasted_iota(jnp.int32, (_RB, _ZROWS), 1).astype(jnp.float32)
    oho = (jnp.minimum(ocol, float(_ZROWS - 1)) == iot).astype(jnp.float32)
    ohi = (jnp.minimum(icol, float(_ZROWS - 1)) == iot).astype(jnp.float32)
    o_ref[...] = (
        x_ref[...]
        + jnp.dot(ohi, zin_ref[...], preferred_element_type=jnp.float32)
        + jnp.dot(oho, zout_ref[...], preferred_element_type=jnp.float32)
    )


_encode_kernel = pl.pallas_call(
    _encode_body,
    grid=(pl.cdiv(_N, _RB),),
    in_specs=[
        pl.BlockSpec((2, _RCH, _CHUNK), lambda i: (0, i, 0)),
        pl.BlockSpec((_RB, _D), lambda i: (i, 0)),
        pl.BlockSpec((_ZROWS, _D), lambda i: (0, 0)),
        pl.BlockSpec((_ZROWS, _D), lambda i: (0, 0)),
    ],
    out_specs=pl.BlockSpec((_RB, _D), lambda i: (i, 0)),
    out_shape=jax.ShapeDtypeStruct((_N, _D), jnp.float32),
)


@jax.jit
def kernel(x, edge_index, z_in, z_out):
    e = edge_index.astype(jnp.int32)
    epad = jnp.pad(e, ((0, 0), (0, _EPAD - _E)), constant_values=_SENT)
    epad = epad.reshape(2, 16 * _NCHUNK, _CHUNK)
    deg = _degree_kernel()(epad)
    deg3 = deg.reshape(2, _HIST // _CHUNK, _CHUNK)
    return _encode_kernel(deg3, x, z_in, z_out)

# --- scband reference (transcript-rebuilt; emitter-appended) ---
"""Pipeline reference for scband-centrality-encoding-33191507263824 (READ-ONLY COPY).

The authoritative reference and input builder live on the scoring server;
editing this copy changes nothing except your own understanding.
"""

import jax, jax.numpy as jnp
import numpy as np

MAX_IN_DEGREE = 64
MAX_OUT_DEGREE = 64
NODE_DIM = 256
NUM_NODES = 10000
NUM_EDGES = 160000


def setup_inputs(seed: int = 0) -> dict:
    key = jax.random.key(seed)
    k1, k2, k3, k4 = jax.random.split(key, 4)
    x = jax.random.normal(k1, (NUM_NODES, NODE_DIM), dtype=jnp.float32)
    edge_index = jax.random.randint(k2, (2, NUM_EDGES), 0, NUM_NODES, dtype=jnp.int64)
    z_in = jax.random.normal(k3, (MAX_IN_DEGREE, NODE_DIM), dtype=jnp.float32)
    z_out = jax.random.normal(k4, (MAX_OUT_DEGREE, NODE_DIM), dtype=jnp.float32)
    return {"x": x, "edge_index": edge_index, "z_in": z_in, "z_out": z_out}


def _degree(index, num_nodes):
    # torch_geometric.utils.degree == bincount over index
    return jnp.bincount(index, length=num_nodes)


def reference(x, edge_index, z_in, z_out):
    num_nodes = x.shape[0]
    in_degree = _degree(edge_index[1], num_nodes).astype(jnp.int32)
    out_degree = _degree(edge_index[0], num_nodes).astype(jnp.int32)
    # decrease_to_max_value: clamp degrees at max_*_degree
    in_degree = jnp.minimum(in_degree, MAX_IN_DEGREE)
    out_degree = jnp.minimum(out_degree, MAX_OUT_DEGREE)
    # NOTE: original torch code indexes z_in[in_degree] where in_degree can
    # equal max_in_degree (out-of-range in torch); jnp gather clamps indices
    # to the last row, which is the well-defined equivalent behavior.
    x = x + jnp.take(z_in, in_degree, axis=0, mode='clip') + jnp.take(z_out, out_degree, axis=0, mode='clip')
    return x

if __name__ == "__main__":
    import jax
    _d = setup_inputs()
    print(jax.jit(kernel)(*tuple(_d.values())))

</pallas_src>

<mosaic_0001>
#map = affine_map<(d0, d1) -> (0, 0, 0)>
#map1 = affine_map<(d0, d1) -> (0)>
module attributes {stable_mosaic.version = 14 : i64} {
  func.func @_degree_body(%arg0: i32, %arg1: i32, %arg2: memref<2x1280x128xi32, #tpu.memory_space<hbm>>, %arg3: memref<20480xi32, #tpu.memory_space<hbm>>, %arg4: memref<80x128xi32, #tpu.memory_space<vmem>>, %arg5: memref<128xi32, #tpu.memory_space<vmem>>, %arg6: memref<640xi32, #tpu.memory_space<vmem>>, %arg7: memref<10240xi32, #tpu.memory_space<vmem_shared>>, %arg8: memref<!tpu.dma_semaphore, #tpu.memory_space<semaphore_mem>>) attributes {dimension_semantics = [#tpu.dimension_semantics<core_parallel>, #tpu.dimension_semantics<subcore_parallel>], iteration_bounds = array<i64: 2, 16>, scalar_prefetch = 0 : i64, scratch_operands = 5 : i64, tpu.core_type = #tpu.core_type<sc_vector_subcore>, window_params = [{transform_indices = #map}, {transform_indices = #map1}]} {
    %mul3A = arith.constant 80 : i32
    %mul3A_0 = arith.muli %arg1, %mul3A : i32
    %dma_start3A = arith.constant 0 : i32
    %dma_start3A_1 = tpu.memref_slice %arg2[%arg0, %mul3A_0, %dma_start3A] : memref<2x1280x128xi32, #tpu.memory_space<hbm>> -> memref<1x80x128xi32, #tpu.memory_space<hbm>>
    %dma_start3A_2 = tpu.memref_squeeze %dma_start3A_1 : memref<1x80x128xi32, #tpu.memory_space<hbm>> -> memref<80x128xi32, #tpu.memory_space<hbm>>
    %dma_start3A_3 = arith.constant 0 : i32
    %dma_start3A_4 = tpu.memref_slice %arg2[%arg0, %mul3A_0, %dma_start3A_3] : memref<2x1280x128xi32, #tpu.memory_space<hbm>> -> memref<1x80x128xi32, #tpu.memory_space<hbm>>
    %dma_start3A_5 = tpu.memref_squeeze %dma_start3A_4 : memref<1x80x128xi32, #tpu.memory_space<hbm>> -> memref<80x128xi32, #tpu.memory_space<hbm>>
    tpu.enqueue_dma source(%dma_start3A_5 : memref<80x128xi32, #tpu.memory_space<hbm>>) target(%arg4 : memref<80x128xi32, #tpu.memory_space<vmem>>) target_semaphore(%arg8 : memref<!tpu.dma_semaphore, #tpu.memory_space<semaphore_mem>>)
    %broadcast_in_dim3A = arith.constant 1 : i32
    %broadcast_in_dim3A_6 = vector.broadcast %broadcast_in_dim3A : i32 to vector<16xi32>
    %swap3A = arith.constant 0 : index
    %swap3A_7 = tpu.vector_load %arg5[%swap3A] {strides = array<i32>} : memref<128xi32, #tpu.memory_space<vmem>>, vector<16xi32>,
    %swap3A_8 = vector.shape_cast %swap3A_7 : vector<16xi32> to vector<16xi32>
    %swap3A_9 = vector.shape_cast %broadcast_in_dim3A_6 : vector<16xi32> to vector<16xi32>
    tpu.vector_store %arg5[%swap3A], %swap3A_9 {strides = array<i32>} : memref<128xi32, #tpu.memory_space<vmem>>, vector<16xi32>,
    %broadcast_in_dim3A_10 = arith.constant 1 : i32
    %broadcast_in_dim3A_11 = vector.broadcast %broadcast_in_dim3A_10 : i32 to vector<16xi32>
    %swap3A_12 = arith.constant 16 : index
    %swap3A_13 = tpu.vector_load %arg5[%swap3A_12] {strides = array<i32>} : memref<128xi32, #tpu.memory_space<vmem>>, vector<16xi32>,
    %swap3A_14 = vector.shape_cast %swap3A_13 : vector<16xi32> to vector<16xi32>
    %swap3A_15 = vector.shape_cast %broadcast_in_dim3A_11 : vector<16xi32> to vector<16xi32>
    tpu.vector_store %arg5[%swap3A_12], %swap3A_15 {strides = array<i32>} : memref<128xi32, #tpu.memory_space<vmem>>, vector<16xi32>,
    %broadcast_in_dim3A_16 = arith.constant 1 : i32
    %broadcast_in_dim3A_17 = vector.broadcast %broadcast_in_dim3A_16 : i32 to vector<16xi32>
    %swap3A_18 = arith.constant 32 : index
    %swap3A_19 = tpu.vector_load %arg5[%swap3A_18] {strides = array<i32>} : memref<128xi32, #tpu.memory_space<vmem>>, vector<16xi32>,
    %swap3A_20 = vector.shape_cast %swap3A_19 : vector<16xi32> to vector<16xi32>
    %swap3A_21 = vector.shape_cast %broadcast_in_dim3A_17 : vector<16xi32> to vector<16xi32>
    tpu.vector_store %arg5[%swap3A_18], %swap3A_21 {strides = array<i32>} : memref<128xi32, #tpu.memory_space<vmem>>, vector<16xi32>,
    %broadcast_in_dim3A_22 = arith.constant 1 : i32
    %broadcast_in_dim3A_23 = vector.broadcast %broadcast_in_dim3A_22 : i32 to vector<16xi32>
    %swap3A_24 = arith.constant 48 : index
    %swap3A_25 = tpu.vector_load %arg5[%swap3A_24] {strides = array<i32>} : memref<128xi32, #tpu.memory_space<vmem>>, vector<16xi32>,
    %swap3A_26 = vector.shape_cast %swap3A_25 : vector<16xi32> to vector<16xi32>
    %swap3A_27 = vector.shape_cast %broadcast_in_dim3A_23 : vector<16xi32> to vector<16xi32>
    tpu.vector_store %arg5[%swap3A_24], %swap3A_27 {strides = array<i32>} : memref<128xi32, #tpu.memory_space<vmem>>, vector<16xi32>,
    %broadcast_in_dim3A_28 = arith.constant 1 : i32
    %broadcast_in_dim3A_29 = vector.broadcast %broadcast_in_dim3A_28 : i32 to vector<16xi32>
    %swap3A_30 = arith.constant 64 : index
    %swap3A_31 = tpu.vector_load %arg5[%swap3A_30] {strides = array<i32>} : memref<128xi32, #tpu.memory_space<vmem>>, vector<16xi32>,
    %swap3A_32 = vector.shape_cast %swap3A_31 : vector<16xi32> to vector<16xi32>
    %swap3A_33 = vector.shape_cast %broadcast_in_dim3A_29 : vector<16xi32> to vector<16xi32>
    tpu.vector_store %arg5[%swap3A_30], %swap3A_33 {strides = array<i32>} : memref<128xi32, #tpu.memory_space<vmem>>, vector<16xi32>,
    %broadcast_in_dim3A_34 = arith.constant 1 : i32
    %broadcast_in_dim3A_35 = vector.broadcast %broadcast_in_dim3A_34 : i32 to vector<16xi32>
    %swap3A_36 = arith.constant 80 : index
    %swap3A_37 = tpu.vector_load %arg5[%swap3A_36] {strides = array<i32>} : memref<128xi32, #tpu.memory_space<vmem>>, vector<16xi32>,
    %swap3A_38 = vector.shape_cast %swap3A_37 : vector<16xi32> to vector<16xi32>
    %swap3A_39 = vector.shape_cast %broadcast_in_dim3A_35 : vector<16xi32> to vector<16xi32>
    tpu.vector_store %arg5[%swap3A_36], %swap3A_39 {strides = array<i32>} : memref<128xi32, #tpu.memory_space<vmem>>, vector<16xi32>,
    %broadcast_in_dim3A_40 = arith.constant 1 : i32
    %broadcast_in_dim3A_41 = vector.broadcast %broadcast_in_dim3A_40 : i32 to vector<16xi32>
    %swap3A_42 = arith.constant 96 : index
    %swap3A_43 = tpu.vector_load %arg5[%swap3A_42] {strides = array<i32>} : memref<128xi32, #tpu.memory_space<vmem>>, vector<16xi32>,
    %swap3A_44 = vector.shape_cast %swap3A_43 : vector<16xi32> to vector<16xi32>
    %swap3A_45 = vector.shape_cast %broadcast_in_dim3A_41 : vector<16xi32> to vector<16xi32>
    tpu.vector_store %arg5[%swap3A_42], %swap3A_45 {strides = array<i32>} : memref<128xi32, #tpu.memory_space<vmem>>, vector<16xi32>,
    %broadcast_in_dim3A_46 = arith.constant 1 : i32
    %broadcast_in_dim3A_47 = vector.broadcast %broadcast_in_dim3A_46 : i32 to vector<16xi32>
    %swap3A_48 = arith.constant 112 : index
    %swap3A_49 = tpu.vector_load %arg5[%swap3A_48] {strides = array<i32>} : memref<128xi32, #tpu.memory_space<vmem>>, vector<16xi32>,
    %swap3A_50 = vector.shape_cast %swap3A_49 : vector<16xi32> to vector<16xi32>
    %swap3A_51 = vector.shape_cast %broadcast_in_dim3A_47 : vector<16xi32> to vector<16xi32>
    tpu.vector_store %arg5[%swap3A_48], %swap3A_51 {strides = array<i32>} : memref<128xi32, #tpu.memory_space<vmem>>, vector<16xi32>,
    %scan3A = arith.constant 0 : i32
    %scan3A_52 = arith.constant 0 : i32
    %scan3A_53 = arith.constant 40 : i32
    %scan3A_54 = arith.addi %scan3A_52, %scan3A_53 : i32
    %scan3A_55 = arith.constant 1 : i32
    scf.for %scan3A_81 = %scan3A_52 to %scan3A_54 step %scan3A_55  : i32 {
      %broadcast_in_dim3A_82 = arith.constant 0 : i32
      %broadcast_in_dim3A_83 = vector.broadcast %broadcast_in_dim3A_82 : i32 to vector<16xi32>
      %mul3A_84 = arith.constant 16 : i32
      %mul3A_85 = arith.muli %scan3A_81, %mul3A_84 : i32
      %swap3A_86 = arith.index_cast %mul3A_85 : i32 to index
      %swap3A_87 = tpu.vector_load %arg6[%swap3A_86] {strides = array<i32>} : memref<640xi32, #tpu.memory_space<vmem>>, vector<16xi32>,
      %swap3A_88 = vector.shape_cast %swap3A_87 : vector<16xi32> to vector<16xi32>
      %swap3A_89 = vector.shape_cast %broadcast_in_dim3A_83 : vector<16xi32> to vector<16xi32>
      tpu.vector_store %arg6[%swap3A_86], %swap3A_89 {strides = array<i32>} : memref<640xi32, #tpu.memory_space<vmem>>, vector<16xi32>,
    }
    %scan3A_56 = arith.constant 40 : i32
    %mul3A_57 = arith.constant 640 : i32
    %mul3A_58 = arith.muli %arg1, %mul3A_57 : i32
    "tpu.region"() ({
      %run_scoped3A = tpu.sem_alloc : memref<!tpu.dma_semaphore, #tpu.memory_space<semaphore_mem>>
      %dma_start3A_81 = tpu.memref_slice %arg7[%mul3A_58] : memref<10240xi32, #tpu.memory_space<vmem_shared>> -> memref<640xi32, #tpu.memory_space<vmem_shared>>
      %dma_start3A_82 = tpu.memref_slice %arg7[%mul3A_58] : memref<10240xi32, #tpu.memory_space<vmem_shared>> -> memref<640xi32, #tpu.memory_space<vmem_shared>>
      tpu.enqueue_dma source(%arg6 : memref<640xi32, #tpu.memory_space<vmem>>) target(%dma_start3A_82 : memref<640xi32, #tpu.memory_space<vmem_shared>>) target_semaphore(%run_scoped3A : memref<!tpu.dma_semaphore, #tpu.memory_space<semaphore_mem>>)
      %dma_wait3A_83 = tpu.memref_slice %arg7[%mul3A_58] : memref<10240xi32, #tpu.memory_space<vmem_shared>> -> memref<640xi32, #tpu.memory_space<vmem_shared>>
      %dma_wait3A_84 = tpu.memref_slice %arg7[%mul3A_58] : memref<10240xi32, #tpu.memory_space<vmem_shared>> -> memref<640xi32, #tpu.memory_space<vmem_shared>>
      tpu.wait_dma2 semaphore(%run_scoped3A : memref<!tpu.dma_semaphore, #tpu.memory_space<semaphore_mem>>) src(%arg6 : memref<640xi32, #tpu.memory_space<vmem>>) dst(%dma_wait3A_84 : memref<640xi32, #tpu.memory_space<vmem_shared>>)
      tpu.yield
    }) : () -> ()
    %dma_wait3A = arith.constant 0 : i32
    %dma_wait3A_59 = tpu.memref_slice %arg2[%arg0, %mul3A_0, %dma_wait3A] : memref<2x1280x128xi32, #tpu.memory_space<hbm>> -> memref<1x80x128xi32, #tpu.memory_space<hbm>>
    %dma_wait3A_60 = tpu.memref_squeeze %dma_wait3A_59 : memref<1x80x128xi32, #tpu.memory_space<hbm>> -> memref<80x128xi32, #tpu.memory_space<hbm>>
    %dma_wait3A_61 = arith.constant 0 : i32
    %dma_wait3A_62 = tpu.memref_slice %arg2[%arg0, %mul3A_0, %dma_wait3A_61] : memref<2x1280x128xi32, #tpu.memory_space<hbm>> -> memref<1x80x128xi32, #tpu.memory_space<hbm>>
    %dma_wait3A_63 = tpu.memref_squeeze %dma_wait3A_62 : memref<1x80x128xi32, #tpu.memory_space<hbm>> -> memref<80x128xi32, #tpu.memory_space<hbm>>
    tpu.wait_dma2 semaphore(%arg8 : memref<!tpu.dma_semaphore, #tpu.memory_space<semaphore_mem>>) src(%dma_wait3A_63 : memref<80x128xi32, #tpu.memory_space<hbm>>) dst(%arg4 : memref<80x128xi32, #tpu.memory_space<vmem>>)
    %barrier3A = arith.constant 0 : index
    tpu.barrier barrier_id(%barrier3A)
    %scan3A_64 = arith.constant 0 : i32
    %scan3A_65 = arith.constant 0 : i32
    %scan3A_66 = arith.constant 80 : i32
    %scan3A_67 = arith.addi %scan3A_65, %scan3A_66 : i32
    %scan3A_68 = arith.constant 1 : i32
    scf.for %scan3A_81 = %scan3A_65 to %scan3A_67 step %scan3A_68  : i32 {
      %dma_start3A_82 = arith.constant 0 : i32
      %dma_start3A_83 = tpu.memref_slice %arg4[%scan3A_81, %dma_start3A_82] : memref<80x128xi32, #tpu.memory_space<vmem>> -> memref<1x128xi32, #tpu.memory_space<vmem>>
      %dma_start3A_84 = tpu.memref_squeeze %dma_start3A_83 : memref<1x128xi32, #tpu.memory_space<vmem>> -> memref<128xi32, #tpu.memory_space<vmem>>
      %dma_start3A_85 = arith.constant 0 : i32
      %dma_start3A_86 = tpu.memref_slice %arg7[%dma_start3A_85] : memref<10240xi32, #tpu.memory_space<vmem_shared>> -> memref<10240xi32, #tpu.memory_space<vmem_shared>>
      tpu.enqueue_indirect_dma source(%arg5 : memref<128xi32, #tpu.memory_space<vmem>>) target(%dma_start3A_86 : memref<10240xi32, #tpu.memory_space<vmem_shared>>) offsets(%dma_start3A_84 : memref<128xi32, #tpu.memory_space<vmem>>) semaphore(%arg8 : memref<!tpu.dma_semaphore, #tpu.memory_space<semaphore_mem>>) {add = true}
    }
    %scan3A_69 = arith.constant 80 : i32
    %dma_wait3A_70 = arith.constant 0 : i32
    %dma_wait3A_71 = arith.constant 0 : i32
    %dma_wait3A_72 = tpu.memref_slice %arg2[%arg0, %dma_wait3A_70, %dma_wait3A_71] : memref<2x1280x128xi32, #tpu.memory_space<hbm>> -> memref<1x80x128xi32, #tpu.memory_space<hbm>>
    %dma_wait3A_73 = tpu.memref_squeeze %dma_wait3A_72 : memref<1x80x128xi32, #tpu.memory_space<hbm>> -> memref<80x128xi32, #tpu.memory_space<hbm>>
    %dma_wait3A_74 = arith.constant 0 : i32
    %dma_wait3A_75 = arith.constant 0 : i32
    %dma_wait3A_76 = tpu.memref_slice %arg2[%arg0, %dma_wait3A_74, %dma_wait3A_75] : memref<2x1280x128xi32, #tpu.memory_space<hbm>> -> memref<1x80x128xi32, #tpu.memory_space<hbm>>
    %dma_wait3A_77 = tpu.memref_squeeze %dma_wait3A_76 : memref<1x80x128xi32, #tpu.memory_space<hbm>> -> memref<80x128xi32, #tpu.memory_space<hbm>>
    tpu.wait_dma2 semaphore(%arg8 : memref<!tpu.dma_semaphore, #tpu.memory_space<semaphore_mem>>) src(%dma_wait3A_77 : memref<80x128xi32, #tpu.memory_space<hbm>>) dst(%arg4 : memref<80x128xi32, #tpu.memory_space<vmem>>)
    %barrier3A_78 = arith.constant 0 : index
    tpu.barrier barrier_id(%barrier3A_78)
    %eq3A = arith.constant 0 : i32
    %eq3A_79 = arith.cmpi eq, %arg1, %eq3A : i32
    %convert_element_type3A = arith.extui %eq3A_79 : i1 to i32
    %cond3A = arith.constant 0 : i32
    %cond3A_80 = arith.cmpi ne, %convert_element_type3A, %cond3A : i32
    scf.if %cond3A_80 {
      %mul3A_81 = arith.constant 10240 : i32
      %mul3A_82 = arith.muli %arg0, %mul3A_81 : i32
      "tpu.region"() ({
        %run_scoped3A = tpu.sem_alloc : memref<!tpu.dma_semaphore, #tpu.memory_space<semaphore_mem>>
        %dma_start3A_83 = tpu.memref_slice %arg3[%mul3A_82] : memref<20480xi32, #tpu.memory_space<hbm>> -> memref<10240xi32, #tpu.memory_space<hbm>>
        tpu.enqueue_dma source(%arg7 : memref<10240xi32, #tpu.memory_space<vmem_shared>>) target(%dma_start3A_83 : memref<10240xi32, #tpu.memory_space<hbm>>) target_semaphore(%run_scoped3A : memref<!tpu.dma_semaphore, #tpu.memory_space<semaphore_mem>>)
        %dma_wait3A_84 = tpu.memref_slice %arg3[%mul3A_82] : memref<20480xi32, #tpu.memory_space<hbm>> -> memref<10240xi32, #tpu.memory_space<hbm>>
        tpu.wait_dma2 semaphore(%run_scoped3A : memref<!tpu.dma_semaphore, #tpu.memory_space<semaphore_mem>>) src(%arg7 : memref<10240xi32, #tpu.memory_space<vmem_shared>>) dst(%dma_wait3A_84 : memref<10240xi32, #tpu.memory_space<hbm>>)
        tpu.yield
      }) : () -> ()
    } else {
    }
    return
  }
}

module attributes {stable_mosaic.version = 14 : i64} {
  func.func @_encode_body(%arg0: i32, %arg1: memref<2x16x128xi32, #tpu.memory_space<vmem>>, %arg2: memref<2048x256xf32, #tpu.memory_space<vmem>>, %arg3: memref<64x256xf32, #tpu.memory_space<vmem>>, %arg4: memref<64x256xf32, #tpu.memory_space<vmem>>, %arg5: memref<2048x256xf32, #tpu.memory_space<vmem>>) attributes {dimension_semantics = [#tpu.dimension_semantics<arbitrary>], iteration_bounds = array<i64: 5>, scalar_prefetch = 0 : i64, scratch_operands = 0 : i64, tpu.core_type = #tpu.core_type<tc>, window_params = [{transform_indices = @transform_0, window_bounds = array<i64: 2, 16, 128>}, {transform_indices = @transform_1, window_bounds = array<i64: 2048, 256>}, {pipeline_mode = #tpu.pipeline_mode<synchronous>, transform_indices = @transform_2, window_bounds = array<i64: 64, 256>}, {pipeline_mode = #tpu.pipeline_mode<synchronous>, transform_indices = @transform_3, window_bounds = array<i64: 64, 256>}, {transform_indices = @transform_4, window_bounds = array<i64: 2048, 256>}]} {
    %get3A = arith.constant 0 : index
    %get3A_0 = arith.constant 0 : index
    %get3A_1 = arith.constant 0 : index
    %get3A_2 = vector.load %arg1[%get3A, %get3A_0, %get3A_1] : memref<2x16x128xi32, #tpu.memory_space<vmem>>, vector<2x16x128xi32>
    %reshape3A = vector.shape_cast %get3A_2 : vector<2x16x128xi32> to vector<32x128xi32>
    %convert_element_type3A = arith.sitofp %reshape3A : vector<32x128xi32> to vector<32x128xf32>
    %iota3A = tpu.iota {dimensions = array<i32: 0>} : vector<128x128xi32>
    %iota3A_3 = tpu.iota {dimensions = array<i32: 1>} : vector<128x128xi32>
    %add3A = arith.constant 0 : i32
    %add3A_4 = vector.broadcast %add3A : i32 to vector<128x128xi32>
    %add3A_5 = arith.addi %iota3A, %add3A_4 : vector<128x128xi32>
    %eq3A = arith.cmpi eq, %add3A_5, %iota3A_3 : vector<128x128xi32>
    %convert_element_type3A_6 = arith.extui %eq3A : vector<128x128xi1> to vector<128x128xi32>
    %convert_element_type3A_7 = arith.sitofp %convert_element_type3A_6 : vector<128x128xi32> to vector<128x128xf32>
    %dot_general3A = arith.constant dense<0.000000e+00> : vector<128x32xf32>
    %dot_general3A_8 = tpu.matmul %convert_element_type3A_7, %convert_element_type3A, %dot_general3A {dimension_numbers = #tpu.dot_dimension_numbers<[1], [1], [0], [0], [0, 0, 1, 0], [], []>, transpose_lhs_hint = false} : vector<128x128xf32>, vector<32x128xf32>, vector<128x32xf32> -> vector<128x32xf32>
    %slice3A = vector.extract_strided_slice %dot_general3A_8 {offsets = [0, 0], sizes = [128, 1], strides = [1, 1]} : vector<128x32xf32> to vector<128x1xf32>
    %slice3A_9 = vector.extract_strided_slice %dot_general3A_8 {offsets = [0, 1], sizes = [128, 1], strides = [1, 1]} : vector<128x32xf32> to vector<128x1xf32>
    %slice3A_10 = vector.extract_strided_slice %dot_general3A_8 {offsets = [0, 2], sizes = [128, 1], strides = [1, 1]} : vector<128x32xf32> to vector<128x1xf32>
    %slice3A_11 = vector.extract_strided_slice %dot_general3A_8 {offsets = [0, 3], sizes = [128, 1], strides = [1, 1]} : vector<128x32xf32> to vector<128x1xf32>
    %slice3A_12 = vector.extract_strided_slice %dot_general3A_8 {offsets = [0, 4], sizes = [128, 1], strides = [1, 1]} : vector<128x32xf32> to vector<128x1xf32>
    %slice3A_13 = vector.extract_strided_slice %dot_general3A_8 {offsets = [0, 5], sizes = [128, 1], strides = [1, 1]} : vector<128x32xf32> to vector<128x1xf32>
    %slice3A_14 = vector.extract_strided_slice %dot_general3A_8 {offsets = [0, 6], sizes = [128, 1], strides = [1, 1]} : vector<128x32xf32> to vector<128x1xf32>
    %slice3A_15 = vector.extract_strided_slice %dot_general3A_8 {offsets = [0, 7], sizes = [128, 1], strides = [1, 1]} : vector<128x32xf32> to vector<128x1xf32>
    %slice3A_16 = vector.extract_strided_slice %dot_general3A_8 {offsets = [0, 8], sizes = [128, 1], strides = [1, 1]} : vector<128x32xf32> to vector<128x1xf32>
    %slice3A_17 = vector.extract_strided_slice %dot_general3A_8 {offsets = [0, 9], sizes = [128, 1], strides = [1, 1]} : vector<128x32xf32> to vector<128x1xf32>
    %slice3A_18 = vector.extract_strided_slice %dot_general3A_8 {offsets = [0, 10], sizes = [128, 1], strides = [1, 1]} : vector<128x32xf32> to vector<128x1xf32>
    %slice3A_19 = vector.extract_strided_slice %dot_general3A_8 {offsets = [0, 11], sizes = [128, 1], strides = [1, 1]} : vector<128x32xf32> to vector<128x1xf32>
    %slice3A_20 = vector.extract_strided_slice %dot_general3A_8 {offsets = [0, 12], sizes = [128, 1], strides = [1, 1]} : vector<128x32xf32> to vector<128x1xf32>
    %slice3A_21 = vector.extract_strided_slice %dot_general3A_8 {offsets = [0, 13], sizes = [128, 1], strides = [1, 1]} : vector<128x32xf32> to vector<128x1xf32>
    %slice3A_22 = vector.extract_strided_slice %dot_general3A_8 {offsets = [0, 14], sizes = [128, 1], strides = [1, 1]} : vector<128x32xf32> to vector<128x1xf32>
    %slice3A_23 = vector.extract_strided_slice %dot_general3A_8 {offsets = [0, 15], sizes = [128, 1], strides = [1, 1]} : vector<128x32xf32> to vector<128x1xf32>
    %concatenate3A = tpu.concatenate %slice3A, %slice3A_9, %slice3A_10, %slice3A_11, %slice3A_12, %slice3A_13, %slice3A_14, %slice3A_15, %slice3A_16, %slice3A_17, %slice3A_18, %slice3A_19, %slice3A_20, %slice3A_21, %slice3A_22, %slice3A_23 in 0 : vector<128x1xf32>, vector<128x1xf32>, vector<128x1xf32>, vector<128x1xf32>, vector<128x1xf32>, vector<128x1xf32>, vector<128x1xf32>, vector<128x1xf32>, vector<128x1xf32>, vector<128x1xf32>, vector<128x1xf32>, vector<128x1xf32>, vector<128x1xf32>, vector<128x1xf32>, vector<128x1xf32>, vector<128x1xf32> -> vector<2048x1xf32>
    %slice3A_24 = vector.extract_strided_slice %dot_general3A_8 {offsets = [0, 16], sizes = [128, 1], strides = [1, 1]} : vector<128x32xf32> to vector<128x1xf32>
    %slice3A_25 = vector.extract_strided_slice %dot_general3A_8 {offsets = [0, 17], sizes = [128, 1], strides = [1, 1]} : vector<128x32xf32> to vector<128x1xf32>
    %slice3A_26 = vector.extract_strided_slice %dot_general3A_8 {offsets = [0, 18], sizes = [128, 1], strides = [1, 1]} : vector<128x32xf32> to vector<128x1xf32>
    %slice3A_27 = vector.extract_strided_slice %dot_general3A_8 {offsets = [0, 19], sizes = [128, 1], strides = [1, 1]} : vector<128x32xf32> to vector<128x1xf32>
    %slice3A_28 = vector.extract_strided_slice %dot_general3A_8 {offsets = [0, 20], sizes = [128, 1], strides = [1, 1]} : vector<128x32xf32> to vector<128x1xf32>
    %slice3A_29 = vector.extract_strided_slice %dot_general3A_8 {offsets = [0, 21], sizes = [128, 1], strides = [1, 1]} : vector<128x32xf32> to vector<128x1xf32>
    %slice3A_30 = vector.extract_strided_slice %dot_general3A_8 {offsets = [0, 22], sizes = [128, 1], strides = [1, 1]} : vector<128x32xf32> to vector<128x1xf32>
    %slice3A_31 = vector.extract_strided_slice %dot_general3A_8 {offsets = [0, 23], sizes = [128, 1], strides = [1, 1]} : vector<128x32xf32> to vector<128x1xf32>
    %slice3A_32 = vector.extract_strided_slice %dot_general3A_8 {offsets = [0, 24], sizes = [128, 1], strides = [1, 1]} : vector<128x32xf32> to vector<128x1xf32>
    %slice3A_33 = vector.extract_strided_slice %dot_general3A_8 {offsets = [0, 25], sizes = [128, 1], strides = [1, 1]} : vector<128x32xf32> to vector<128x1xf32>
    %slice3A_34 = vector.extract_strided_slice %dot_general3A_8 {offsets = [0, 26], sizes = [128, 1], strides = [1, 1]} : vector<128x32xf32> to vector<128x1xf32>
    %slice3A_35 = vector.extract_strided_slice %dot_general3A_8 {offsets = [0, 27], sizes = [128, 1], strides = [1, 1]} : vector<128x32xf32> to vector<128x1xf32>
    %slice3A_36 = vector.extract_strided_slice %dot_general3A_8 {offsets = [0, 28], sizes = [128, 1], strides = [1, 1]} : vector<128x32xf32> to vector<128x1xf32>
    %slice3A_37 = vector.extract_strided_slice %dot_general3A_8 {offsets = [0, 29], sizes = [128, 1], strides = [1, 1]} : vector<128x32xf32> to vector<128x1xf32>
    %slice3A_38 = vector.extract_strided_slice %dot_general3A_8 {offsets = [0, 30], sizes = [128, 1], strides = [1, 1]} : vector<128x32xf32> to vector<128x1xf32>
    %slice3A_39 = vector.extract_strided_slice %dot_general3A_8 {offsets = [0, 31], sizes = [128, 1], strides = [1, 1]} : vector<128x32xf32> to vector<128x1xf32>
    %concatenate3A_40 = tpu.concatenate %slice3A_24, %slice3A_25, %slice3A_26, %slice3A_27, %slice3A_28, %slice3A_29, %slice3A_30, %slice3A_31, %slice3A_32, %slice3A_33, %slice3A_34, %slice3A_35, %slice3A_36, %slice3A_37, %slice3A_38, %slice3A_39 in 0 : vector<128x1xf32>, vector<128x1xf32>, vector<128x1xf32>, vector<128x1xf32>, vector<128x1xf32>, vector<128x1xf32>, vector<128x1xf32>, vector<128x1xf32>, vector<128x1xf32>, vector<128x1xf32>, vector<128x1xf32>, vector<128x1xf32>, vector<128x1xf32>, vector<128x1xf32>, vector<128x1xf32>, vector<128x1xf32> -> vector<2048x1xf32>
    %iota3A_41 = tpu.iota {dimensions = array<i32: 1>} : vector<2048x64xi32>
    %convert_element_type3A_42 = arith.sitofp %iota3A_41 : vector<2048x64xi32> to vector<2048x64xf32>
    %min3A = arith.constant 6.300000e+01 : f32
    %min3A_43 = vector.broadcast %min3A : f32 to vector<2048x1xf32>
    %min3A_44 = arith.minimumf %concatenate3A, %min3A_43 : vector<2048x1xf32>
    %eq3A_45 = vector.broadcast %min3A_44 : vector<2048x1xf32> to vector<2048x64xf32>
    %eq3A_46 = arith.cmpf oeq, %eq3A_45, %convert_element_type3A_42 : vector<2048x64xf32>
    %convert_element_type3A_47 = arith.extui %eq3A_46 : vector<2048x64xi1> to vector<2048x64xi32>
    %convert_element_type3A_48 = arith.sitofp %convert_element_type3A_47 : vector<2048x64xi32> to vector<2048x64xf32>
    %min3A_49 = arith.constant 6.300000e+01 : f32
    %min3A_50 = vector.broadcast %min3A_49 : f32 to vector<2048x1xf32>
    %min3A_51 = arith.minimumf %concatenate3A_40, %min3A_50 : vector<2048x1xf32>
    %eq3A_52 = vector.broadcast %min3A_51 : vector<2048x1xf32> to vector<2048x64xf32>
    %eq3A_53 = arith.cmpf oeq, %eq3A_52, %convert_element_type3A_42 : vector<2048x64xf32>
    %convert_element_type3A_54 = arith.extui %eq3A_53 : vector<2048x64xi1> to vector<2048x64xi32>
    %convert_element_type3A_55 = arith.sitofp %convert_element_type3A_54 : vector<2048x64xi32> to vector<2048x64xf32>
    %get3A_56 = arith.constant 0 : index
    %get3A_57 = arith.constant 0 : index
    %get3A_58 = vector.load %arg2[%get3A_56, %get3A_57] : memref<2048x256xf32, #tpu.memory_space<vmem>>, vector<2048x256xf32>
    %get3A_59 = arith.constant 0 : index
    %get3A_60 = arith.constant 0 : index
    %get3A_61 = vector.load %arg3[%get3A_59, %get3A_60] : memref<64x256xf32, #tpu.memory_space<vmem>>, vector<64x256xf32>
    %dot_general3A_62 = arith.constant dense<0.000000e+00> : vector<2048x256xf32>
    %dot_general3A_63 = tpu.matmul %convert_element_type3A_55, %get3A_61, %dot_general3A_62 {dimension_numbers = #tpu.dot_dimension_numbers<[1], [0], [0], [1], [0, 0, 1, 1], [], []>, transpose_lhs_hint = false} : vector<2048x64xf32>, vector<64x256xf32>, vector<2048x256xf32> -> vector<2048x256xf32>
    %add3A_64 = arith.addf %get3A_58, %dot_general3A_63 : vector<2048x256xf32>
    %get3A_65 = arith.constant 0 : index
    %get3A_66 = arith.constant 0 : index
    %get3A_67 = vector.load %arg4[%get3A_65, %get3A_66] : memref<64x256xf32, #tpu.memory_space<vmem>>, vector<64x256xf32>
    %dot_general3A_68 = arith.constant dense<0.000000e+00> : vector<2048x256xf32>
    %dot_general3A_69 = tpu.matmul %convert_element_type3A_48, %get3A_67, %dot_general3A_68 {dimension_numbers = #tpu.dot_dimension_numbers<[1], [0], [0], [1], [0, 0, 1, 1], [], []>, transpose_lhs_hint = false} : vector<2048x64xf32>, vector<64x256xf32>, vector<2048x256xf32> -> vector<2048x256xf32>
    %add3A_70 = arith.addf %add3A_64, %dot_general3A_69 : vector<2048x256xf32>
    %swap3A = arith.constant 0 : index
    %swap3A_71 = arith.constant 0 : index
    %swap3A_72 = vector.load %arg5[%swap3A, %swap3A_71] : memref<2048x256xf32, #tpu.memory_space<vmem>>, vector<2048x256xf32>
    tpu.vector_store %arg5[%swap3A, %swap3A_71], %add3A_70 {strides = array<i32>} : memref<2048x256xf32, #tpu.memory_space<vmem>>, vector<2048x256xf32>,
    return
  }
  func.func @transform_0(%arg0: i32) -> (i32, i32, i32) {
    %c0_i32 = arith.constant 0 : i32
    %c0_i32_0 = arith.constant 0 : i32
    %c0_i32_1 = arith.constant 0 : i32
    return %c0_i32, %arg0, %c0_i32_0 : i32, i32, i32
  }
  func.func @transform_1(%arg0: i32) -> (i32, i32) {
    %c0_i32 = arith.constant 0 : i32
    %c0_i32_0 = arith.constant 0 : i32
    return %arg0, %c0_i32 : i32, i32
  }
  func.func @transform_2(%arg0: i32) -> (i32, i32) {
    %c0_i32 = arith.constant 0 : i32
    %c0_i32_0 = arith.constant 0 : i32
    %c0_i32_1 = arith.constant 0 : i32
    return %c0_i32, %c0_i32_0 : i32, i32
  }
  func.func @transform_3(%arg0: i32) -> (i32, i32) {
    %c0_i32 = arith.constant 0 : i32
    %c0_i32_0 = arith.constant 0 : i32
    %c0_i32_1 = arith.constant 0 : i32
    return %c0_i32, %c0_i32_0 : i32, i32
  }
  func.func @transform_4(%arg0: i32) -> (i32, i32) {
    %c0_i32 = arith.constant 0 : i32
    %c0_i32_0 = arith.constant 0 : i32
    return %arg0, %c0_i32 : i32, i32
  }
}

</mosaic_0001>

<sc_bundles>
// kernel: kernel.4.cloned.1.call-start
scs
__scs_entry_jumppad:
0x0: {  	(pc) =	sbr.rel $0x88, $3  }
0x1: {  	(tag) =	ssettag $0x0;
	lr =	simm.s32 $0x1  }
0x2: {  	[smem:$0x3F9D] =	sst lr;
	_ =	strace $0xD0000000  }
0x3: {  	_ = 	snop  }
0x4: {  	_ = 	snop  }
0x5: {  	_ = 	snop  }
0x6: {  	_ = 	snop  }
0x7: {  	_ = 	snop  }
__scs_overlays_trampoline_lowered:
0x8: {  	[smem:$0x3FAC] =	sst s0  }
0x9: {  	[smem:$0x3FAD] =	sst s1  }
0xa: {  	[smem:$0x3FAE] =	sst s2  }
0xb: {  	[smem:$0x3FAF] =	sst s3  }
0xc: {  	[smem:$0x3FB0] =	sst s4  }
0xd: {  	[smem:$0x3FB1] =	sst s5  }
0xe: {  	[smem:$0x3FB2] =	sst s6  }
0xf: {  	[smem:$0x3FB3] =	sst s7  }
0x10: {  	[smem:$0x3FB4] =	sst s8  }
0x11: {  	[smem:$0x3FB5] =	sst s9;
	s0 =	simm.s32 @!p0 $0x0  }
0x12: {  	s1 =	sld [smem:$0x3F9B];
	s0 =	simm.s32 @p0 $0x1  }
0x13: {  	[smem:$0x3FB6] =	sst s0;
	s0 =	simm.s32 @!p1 $0x0  }
0x14: {  	s2 =	sld [smem:$0x3F9A];
	s0 =	simm.s32 @p1 $0x1  }
0x15: {  	[smem:$0x3FB7] =	sst s0;
	s0 =	simm.s32 @!p2 $0x0  }
0x16: {  	s3 =	sld [smem:$0x3FDB];
	s0 =	simm.s32 @p2 $0x1  }
0x17: {  	s4 =	simm.s32 $0x1BF5;
	[smem:$0x3FB9] =	sst s0  }
0x18: {  	s0 =	sld [smem:$0x3F9C];
	_ =	swait.ge [sflag:s4], $0x0  }
0x19: {  	s7 =	sld [smem:$0x3F9D]  }
0x1a: {  	s8 =	sadd.s32 $0xFFFFE003, lr  }
0x1b: {  	s9 =	sadd.s32 $0xFFFFFEF7, lr;
	s5 =	simm.s32 $0xFFFFFFFF;
	p2 =	slt.u32 s8, $0xFFFFF086  }
0x1c: {  	p1 =	slt.u32 s9, $0xF7A;
	s5 =	simm.s32 @!p2 $0x0  }
0x1d: {  	s5 =	simm.s32 @p1 $0x1;
	p0 =	seq.s32 s7, s2  }
0x1e: {  	s7 =	smul.u32 @!p0 $0xF7A, s2;
	p2 =	seq.s32 @!p0 s5, $0x0  }
0x1f: {  	s9 =	smul.u32 $0xF7A, s1;
	s8 =	simm.s32 @!p0 $0x1BF5;
	p2 =	por !p2, p0  }
0x20: {  	[sflag:s8] =	ssyncset.s32 @!p0 $0xFFFFF086;
	s6 =	sadd.s32 @!p0 s3, s7;
	s7 =	simm.s32 @!p0 $0x108  }
0x21: {  	s3 =	sadd.s32 s3, s9;
	s6 =	sadd.s32 @!p0 $0x88, s6;
	s7 =	simm.s32 @p2 $0x1082  }
0x22: {  	[simem:s7], [sflag:s8] =	dma.local @!p0 [hbm:s6], $0xF7A  }
0x23: {  	s9 =	sor.u32 $0xD0000000, s2;
	s6 =	simm.s32 $0x108;
	_ =	swait.ge @!p0 [sflag:s8], $0x0  }
0x24: {  	s3 =	sadd.s32 $0x88, s3;
	s6 =	simm.s32 @!p1 $0x1082;
	[sflag:s4] =	ssyncset.s32 $0xFFFFF086  }
0x25: {  	[simem:s6], [sflag:s4] =	dma.local [hbm:s3], $0xF7A  }
0x26: {  	[smem:$0x3F9D] =	sst s1;
	(tag) =	ssettag s2;
	_ =	strace s9  }
0x27: {  	s1 =	sld [smem:$0x3FAD]  }
0x28: {  	s2 =	sld [smem:$0x3FAE]  }
0x29: {  	s4 =	sld [smem:$0x3FB0]  }
0x2a: {  	p0 =	seq.s32 s5, $0x0;
	s5 =	sld [smem:$0x3FB1]  }
0x2b: {  	s6 =	sld [smem:$0x3FB2]  }
0x2c: {  	s7 =	sld [smem:$0x3FB3]  }
0x2d: {  	s3 =	simm.s32 $0x108;
	s8 =	sld [smem:$0x3FB4]  }
0x2e: {  	s3 =	simm.s32 @!p0 $0x1082;
	s9 =	sld [smem:$0x3FB5]  }
0x2f: {  	lr =	sadd.s32 s0, s3;
	s0 =	sld [smem:$0x3FAC]  }
0x30: {  	s3 =	sld [smem:$0x3FAF]  }
0x31: {  	[smem:$0x3FB8] =	sst s10  }
0x32: {  	s10 =	sld [smem:$0x3FB6];
	_ =	sdelay $0x3  }
0x33: {  	p0 =	seq.s32 s10, $0x1;
	s10 =	sld [smem:$0x3FB8];
	_ =	sdelay $0x3  }
0x34: {  	[smem:$0x3FB8] =	sst s10  }
0x35: {  	s10 =	sld [smem:$0x3FB7];
	_ =	sdelay $0x3  }
0x36: {  	p1 =	seq.s32 s10, $0x1;
	s10 =	sld [smem:$0x3FB8];
	_ =	sdelay $0x3  }
0x37: {  	[smem:$0x3FB8] =	sst s10  }
0x38: {  	s10 =	sld [smem:$0x3FB9]  }
0x39: {  	_ = 	snop;
	(pc) =	sbr.ind lr, $3  }
0x3a: {  	_ = 	snop  }
0x3b: {  	_ = 	snop  }
0x3c: {  	p2 =	seq.s32 s10, $0x1;
	s10 =	sld [smem:$0x3FB8]  }
0x3d: {  	_ =	shalt  }
0x3e: {  	_ =	shalt  }
0x3f: {  	_ =	shalt  }
0x40: {  	_ =	shalt  }
0x41: {  	_ =	shalt  }
0x42: {  	_ =	shalt  }
0x43: {  	_ =	shalt  }
0x44: {  	_ =	shalt  }
0x45: {  	_ =	shalt  }
0x46: {  	_ =	shalt  }
0x47: {  	_ =	shalt  }
0x48: {  	_ =	shalt  }
0x49: {  	_ =	shalt  }
0x4a: {  	_ =	shalt  }
0x4b: {  	_ =	shalt  }
0x4c: {  	_ =	shalt  }
0x4d: {  	_ =	shalt  }
0x4e: {  	_ =	shalt  }
0x4f: {  	_ =	shalt  }
0x50: {  	_ =	shalt  }
0x51: {  	_ =	shalt  }
0x52: {  	_ =	shalt  }
0x53: {  	_ =	shalt  }
0x54: {  	_ =	shalt  }
0x55: {  	_ =	shalt  }
0x56: {  	_ =	shalt  }
0x57: {  	_ =	shalt  }
0x58: {  	_ =	shalt  }
0x59: {  	_ =	shalt  }
0x5a: {  	_ =	shalt  }
0x5b: {  	_ =	shalt  }
0x5c: {  	_ =	shalt  }
0x5d: {  	_ =	shalt  }
0x5e: {  	_ =	shalt  }
0x5f: {  	_ =	shalt  }
0x60: {  	_ =	shalt  }
0x61: {  	_ =	shalt  }
0x62: {  	_ =	shalt  }
0x63: {  	_ =	shalt  }
0x64: {  	_ =	shalt  }
0x65: {  	_ =	shalt  }
0x66: {  	_ =	shalt  }
0x67: {  	_ =	shalt  }
0x68: {  	_ =	shalt  }
0x69: {  	_ =	shalt  }
0x6a: {  	_ =	shalt  }
0x6b: {  	_ =	shalt  }
0x6c: {  	_ =	shalt  }
0x6d: {  	_ =	shalt  }
0x6e: {  	_ =	shalt  }
0x6f: {  	_ =	shalt  }
0x70: {  	_ =	shalt  }
0x71: {  	_ =	shalt  }
0x72: {  	_ =	shalt  }
0x73: {  	_ =	shalt  }
0x74: {  	_ =	shalt  }
0x75: {  	_ =	shalt  }
0x76: {  	_ =	shalt  }
0x77: {  	_ =	shalt  }
0x78: {  	_ =	shalt  }
0x79: {  	_ =	shalt  }
0x7a: {  	_ =	shalt  }
0x7b: {  	_ =	shalt  }
0x7c: {  	_ =	shalt  }
0x7d: {  	_ =	shalt  }
0x7e: {  	_ =	shalt  }
0x7f: {  	_ =	shalt  }
0x80: {  	_ =	shalt  }
0x81: {  	_ =	shalt  }
0x82: {  	_ =	shalt  }
0x83: {  	_ =	shalt  }
0x84: {  	_ =	shalt  }
0x85: {  	_ =	shalt  }
0x86: {  	_ =	shalt  }
0x87: {  	_ =	shalt  }
.Lfunc_end0:
.L_simem_size_0:
called_computation_lowered:
.L_overlay_start_0:
0x88: {  	s2 =	sld [smem:$0x3FD9]  }
0x89: {  	s3 =	sld [smem:$0x3FFE];
	_ =	sdelay $0x1  }
0x8a: {  	s1 =	srdreg.scid  }
0x8b: {  	s0 =	sand.u32 $0x1, s1  }
0x8c: {  	s17 =	sshll.u32 s0, $0xA;
	s2 =	sadd.s32 s3, s2  }
0x8d: {  	s2 =	sadd.s32 s2, s17  }
0x8e: {  	[smem:$0x3FC4] =	sst s2  }
0x8f: {  	_ = 	snop  }
0x90: {  	s2 =	sld [smem:$0x3FD0];
	(tm) =	ssettm $0x1  }
0x91: {  	s18 =	sld [smem:$0x3FFB];
	_ =	sdelay $0x3  }
0x92: {  	_ =	strace s18  }
0x93: {  	s3 =	sld [smem:$0x3FFC];
	_ =	sdelay $0x3  }
0x94: {  	_ =	strace s3  }
0x95: {  	s3 =	sld [smem:$0x3FFD];
	_ =	sdelay $0x3  }
0x96: {  	_ =	strace s3  }
0x97: {  	_ =	strace $0x8FFFFFFF  }
0x98: {  	s19 =	sld [smem:$0x3FDB];
	_ =	sdelay $0x1  }
0x99: {  	s4 =	simm.s32 $_scs_section_size  }
0x9a: {  	s5 =	simm.s32 $_size__tile_overlayer_lowered;
	s6 =	simm.s32 $_tile_overlayer_lowered  }
0x9b: {  	s22 =	simm.s32 $0x1BFF;
	s21 =	sshll.u32 s6, $0x1;
	s3 =	sadd.s32 s4, s19  }
0x9c: {  	s7 =	simm.s32 $0x0;
	s20 =	sshll.u32 s5, $0x1;
	s5 =	sadd.s32 s21, s3  }
0x9d: {  	[timem:s7], [sflag:s22] =	dma.local [hbm:s5], s20  }
0x9e: {  	_ =	swait.ge [sflag:s22], s20  }
0x9f: {  	s4 =	ssub.s32 $0x0, s20;
	[sflag:s22] =	ssyncset.done $0x0  }
0xa0: {  	[sflag:s22] =	ssyncadd.s32 s4;
	_ =	sdelay $0x1  }
0xa1: {  	s23 =	simm.s32 $0x1B8B  }
0xa2: {  	_ =	swait.ge [sflag:s23], $0x1  }
0xa3: {  	[sflag:s23] =	ssyncset.done $0x0  }
0xa4: {  	s25 =	simm.s32 $0x1B8E;
	s24 =	sld [smem:$0x3FFE];
	[sflag:s23] =	ssyncadd.s32 $0xFFFFFFFF  }
0xa5: {  	s26 =	simm.s32 $execute0_lowered;
	[smem:$0x3FD2] =	sst s25  }
0xa6: {  	s5 =	sshll.u32 s26, $0x1;
	_ =	strace $0x80000046;
	[dreg:$0x1] =	wrdreg $0xFFFFFFFF  }
0xa7: {  	s28 =	simm.s32 $_size_execute0_lowered;
	s3 =	sadd.s32 s3, s5;
	[dreg:$0x0] =	wrdreg $0x0  }
0xa8: {  	s5 =	sshll.u32 s28, $0x1;
	[dreg:$0x2] =	wrdreg s3  }
0xa9: {  	[dreg:$0x3] =	wrdreg s5  }
0xaa: {  	[dreg:$0x4] =	wrdreg $0xC0  }
0xab: {  	_ =	task [dreg:s7], $0x5FFFF  }
0xac: {  	[dreg:$0x1] =	wrdreg $0xFFFFFFFF  }
0xad: {  	[dreg:$0x0] =	wrdreg $0x60  }
0xae: {  	[dreg:$0x2] =	wrdreg s2  }
0xaf: {  	[dreg:$0x3] =	wrdreg s24  }
0xb0: {  	[dreg:$0x4] =	wrdreg $0x2B000  }
0xb1: {  	[dreg:$0x5] =	wrdreg $0x9  }
0xb2: {  	_ =	task.clear_ibuf [dreg:s7], $0x6FFFF;
	_ =	strace $0x90000046  }
0xb3: {  	s29 =	simm.s32 $0x9;
	_ =	strace $0x80000048  }
0xb4: {  	_ =	swait.ge [sflag:s29], $0x1  }
0xb5: {  	[sflag:s29] =	ssyncadd.s32 $0xFFFFFFFF  }
0xb6: {  	_ =	strace $0x90000048  }
0xb7: {  	_ =	sfence  }
0xb8: {  	s30 =	sld [smem:$0x0];
	_ =	sdelay $0x2  }
0xb9: {  	s31 =	sshll.u32 s1, $0xD;
	s1 =	sshrl.u32 s1, $0x2  }
0xba: {  	s3 =	sand.u32 $0x4000, s31;
	s1 =	sadd.s32 s1, s30  }
0xbb: {  	s0 =	sor.u32 s3, s0;
	s1 =	sshll.u32 s1, $0x11  }
0xbc: {  	s0 =	sor.u32 s1, s0  }
0xbd: {  	s0 =	sadd.s32 $0x8F2B, s0  }
0xbe: {  	[sflag:s0] =	ssyncadd.remote.s32 $0x1  }
0xbf: {  	_ =	sfence.sel $0xFFFF  }
0xc0: {  	[dreg:$0x0] =	wrdreg $0xFFFFFFFF;
	(pc) =	sbr.abs _section_cstart, $3  }
0xc1: {  	[dreg:$0x1] =	wrdreg $0xFFFFFFFF  }
0xc2: {  	_ =	task.clear_ibuf [dreg:s7], $0x2FFFF;
	_ =	strace $0x9FFFFFFF  }
0xc3: {  	(tm) =	ssettm $0x7FFFFFFF  }
tec
execute0_lowered:
.L_overlay_start_1:
0x0: {  	(tag) =	ssettag $0x1  }
0x1: {  	s3 =	rddreg [dreg:$0x0]  }
0x2: {  	s4 =	rddreg [dreg:$0x1];
	s0 =	srdreg.scid  }
0x3: {  	s1 =	rddreg [dreg:$0x2];
	s2 =	simm.s32 $0x0;
	s11 =	stileid.u32  }
0x4: {  	s10 =	simm.s32 $0x80;
	s13 =	simm.s32 $0x0;
	s8 =	smul.u32 $0x2800, s11  }
0x5: {  	s5 =	sand.u32 $0x1, s0;
	s0 =	rddreg [dreg:$0x3];
	s9 =	smul.u32 $0xA00, s11  }
0x6: {  	[smem:$0x7FF] =	sst s2;
	p0 =	sne.s32 s11, $0x0;
	s6 =	smul.u32 $0x500, s5  }
0x7: {  	s11 =	simm.s32 $0x2800;
	s7 =	smul.u32 $0x28000, s5;
	s5 =	ssub.s32 $0x2, s5  }
0x8: {  	_ =	strace $0x80000047;
	s12 =	sshrl.u32 @!p0 s1, $0x3;
	s28 =	sshrl.u32 s5, $0x1  }
0x9: {  	s31 =	sshrl.u32 s9, $0x2;
	s9 =	simm.s32 $0x1;
	s6 =	sadd.s32 s6, s4  }
0xa: {  	s7 =	sadd.s32 s8, s7;
	s29 =	ssub.s32 s5, s28;
	s4 =	sadd.s32 s31, s1  }
0xb: {  	s8 =	simm.s32 $0x2;
	s30 =	sshrl.u32 s7, $0x3;
	s5 =	sadd.s32 $0xC00, s6  }
0xc: {  	v0 =	vimm.s32 $0x1;
	v1 =	vimm.s32 $0x0;
	s6 =	smax.u32 s29, $0x1;
	s7 =	simm.s32 $0x2880;
	s3 =	sadd.s32 s3, s30  }
.LBB2_1:
0xd: {  	[tilespmem:s2], [sflag:$0x1] =	stream.linear.gather [hbm4b:s3+s2], $0x2800, $0x38;
	[tilespmem:$0x2D80] =	vst v63  }
0xe: {  	[tilespmem:$0x2800] =	vst v0  }
0xf: {  	[tilespmem:$0x2810] =	vst v0  }
0x10: {  	[tilespmem:$0x2820] =	vst v0  }
0x11: {  	[tilespmem:$0x2830] =	vst v0  }
0x12: {  	[tilespmem:$0x2840] =	vst v0  }
0x13: {  	[tilespmem:$0x2850] =	vst v0  }
0x14: {  	[tilespmem:$0x2860] =	vst v0  }
0x15: {  	[tilespmem:$0x2870] =	vst v0  }
0x16: {  	[tilespmem:$0x2880] =	vst v1  }
0x17: {  	[tilespmem:$0x2890] =	vst v1  }
0x18: {  	[tilespmem:$0x28A0] =	vst v1  }
0x19: {  	[tilespmem:$0x28B0] =	vst v1  }
0x1a: {  	[tilespmem:$0x28C0] =	vst v1  }
0x1b: {  	[tilespmem:$0x28D0] =	vst v1  }
0x1c: {  	[tilespmem:$0x28E0] =	vst v1  }
0x1d: {  	[tilespmem:$0x28F0] =	vst v1  }
0x1e: {  	[tilespmem:$0x2900] =	vst v1  }
0x1f: {  	[tilespmem:$0x2910] =	vst v1  }
0x20: {  	[tilespmem:$0x2920] =	vst v1  }
0x21: {  	[tilespmem:$0x2930] =	vst v1  }
0x22: {  	[tilespmem:$0x2940] =	vst v1  }
0x23: {  	[tilespmem:$0x2950] =	vst v1  }
0x24: {  	[tilespmem:$0x2960] =	vst v1  }
0x25: {  	[tilespmem:$0x2970] =	vst v1  }
0x26: {  	[tilespmem:$0x2980] =	vst v1  }
0x27: {  	[tilespmem:$0x2990] =	vst v1  }
0x28: {  	[tilespmem:$0x29A0] =	vst v1  }
0x29: {  	[tilespmem:$0x29B0] =	vst v1  }
0x2a: {  	[tilespmem:$0x29C0] =	vst v1  }
0x2b: {  	[tilespmem:$0x29D0] =	vst v1  }
0x2c: {  	[tilespmem:$0x29E0] =	vst v1  }
0x2d: {  	[tilespmem:$0x29F0] =	vst v1  }
0x2e: {  	[tilespmem:$0x2A00] =	vst v1  }
0x2f: {  	[tilespmem:$0x2A10] =	vst v1  }
0x30: {  	[tilespmem:$0x2A20] =	vst v1  }
0x31: {  	[tilespmem:$0x2A30] =	vst v1  }
0x32: {  	[tilespmem:$0x2A40] =	vst v1  }
0x33: {  	[tilespmem:$0x2A50] =	vst v1  }
0x34: {  	[tilespmem:$0x2A60] =	vst v1  }
0x35: {  	[tilespmem:$0x2A70] =	vst v1  }
0x36: {  	[tilespmem:$0x2A80] =	vst v1  }
0x37: {  	[tilespmem:$0x2A90] =	vst v1  }
0x38: {  	[tilespmem:$0x2AA0] =	vst v1  }
0x39: {  	[tilespmem:$0x2AB0] =	vst v1  }
0x3a: {  	[tilespmem:$0x2AC0] =	vst v1  }
0x3b: {  	[tilespmem:$0x2AD0] =	vst v1  }
0x3c: {  	[tilespmem:$0x2AE0] =	vst v1  }
0x3d: {  	[tilespmem:$0x2AF0] =	vst v1  }
0x3e: {  	[spmem:s4] =	stream.linear.scatter [tilespmem:s7], [sflag:$0x2], $0x280, $0x38;
	[tilespmem:$0x2D80] =	vst v63  }
0x3f: {  	_ =	swait.ge [sflag:s8], $0x280  }
0x40: {  	[sflag:s8] =	ssyncset.done $0x0  }
0x41: {  	[sflag:s8] =	ssyncadd.s32 $0xFFFFFD80  }
0x42: {  	_ =	swait.ge [sflag:s9], $0x2800  }
0x43: {  	[sflag:s9] =	ssyncset.done $0x0  }
0x44: {  	[sflag:s9] =	ssyncadd.s32 $0xFFFFD800  }
0x45: {  	s14 =	simm.s32 $0x200;
	s15 =	simm.s32 $0x0;
	[bflag:$0x0] =	sbarrier.arrive $0xFFFF  }
.LBB2_2:
0x46: {  	[spmem:s1] =	stream.indirect.scatter.add.s32 [tilespmem:s11], [sflag:$0x1], $0x1, s15, s10, $0xb8;
	[tilespmem:$0x2D80] =	vst v63  }
0x47: {  	s15 =	smov.u32 s14;
	p1 =	sne.s32 s14, $0x9E00  }
.Ltmp0:
0x48: {  	s14 =	sadd.s32 $0x200, s14;
	(pc) =	sbr.rel @p1 .LBB2_2-.Ltmp0, $2  }
0x49: {  	_ =	sdelay $0x2  }
0x4a: {  	s15 =	sshra.s32 s15, $0x2  }
0x4b: {  	[spmem:s1] =	stream.indirect.scatter.add.s32 [tilespmem:s11], [sflag:$0x1], $0x1, s15, s10, $0xb8;
	[tilespmem:$0x2D80] =	vst v63  }
0x4c: {  	_ =	swait.ge [sflag:s9], $0x2800  }
0x4d: {  	[sflag:s9] =	ssyncset.done $0x0  }
0x4e: {  	s13 =	sadd.s32 $0x1, s13;
	[sflag:s9] =	ssyncadd.s32 $0xFFFFD800  }
0x4f: {  	s14 =	simm.s32 @!p0 $0x1C02;
	p1 =	sne.s32 s13, s6;
	[bflag:$0x0] =	sbarrier.arrive $0xFFFF  }
0x50: {  	[hbm:s5], [sflag:s14] =	dma.local @!p0 [spmem:s12], $0x500  }
.Ltmp1:
0x51: {  	_ = 	snop;
	(pc) =	sbr.rel @p1 .LBB2_1-.Ltmp1, $4  }
0x52: {  	s14 =	simm.s32 @!p0 $0x2  }
0x53: {  	_ =	swait.ge @!p0 [sflag:s14], $0x500  }
0x54: {  	[sflag:s14] =	ssyncset.done @!p0 $0x0  }
0x55: {  	[sflag:s14] =	ssyncadd.s32 @!p0 $0xFFFFFB00  }
0x56: {  	_ =	sfence.sel $0x180000  }
0x57: {  	[bflag:$0x0] =	sbarrier.arrive $0xFFFF  }
0x58: {  	_ =	strace $0x90000047  }
0x59: {  	s0 =	sadd.s32 @!p0 $0x100000, s0;
	[bflag:$0x2] =	sbarrier.arrive $0xFFFF  }
0x5a: {  	[sflag:s0] =	ssyncadd.tile.s32 @!p0 $0x1;
	_ =	shalt  }
.Lfunc_end2:
_tile_overlayer_lowered:
.L_overlay_start_2:
0x5b: {  	(tag) =	ssettag $0x2  }
0x5c: {  	s0 =	rddreg [dreg:$0x0];
	s2 =	stileid.u32  }
0x5d: {  	s1 =	rddreg [dreg:$0x1];
	p0 =	sne.s32 s2, $0x0  }
0x5e: {  	s3 =	rddreg [dreg:$0x2];
	[bflag:$0x3] =	sbarrier.arrive $0xFFFF;
	s2 =	simm.s32 @!p0 $0x1C02  }
0x5f: {  	[timem:s3], [sflag:s2] =	dma.local @!p0 [hbm:s0], s1  }
0x60: {  	s0 =	simm.s32 @!p0 $0x2  }
0x61: {  	_ =	swait.ge @!p0 [sflag:s0], s1  }
0x62: {  	s1 =	ssub.s32 @!p0 $0x0, s1;
	[sflag:s0] =	ssyncset.done @!p0 $0x0  }
0x63: {  	[sflag:s0] =	ssyncadd.s32 @!p0 s1  }
0x64: {  	[bflag:$0x3] =	sbarrier.arrive $0xFFFF  }
0x65: {  	_ =	shalt  }

</sc_bundles>
